<compile_context>
chip_gen: v7x
topology: tpu7x:2x2x1
jax: 0.10.2.dev20260603
libtpu: 0.0.44.dev20260713+nightly
codegen_flags: <defaults>
</compile_context>

<pallas_src>
import functools

import jax
import jax.numpy as jnp
from jax import lax
from jax.experimental import pallas as pl
from jax.experimental.pallas import tpu as pltpu
from jax.experimental.pallas import tpu_sc as plsc

_NUM_CODES = 8192
_EMBED_DIM = 256
_BATCH = 36864
_COMMITMENT_COST = 0.25

_BM = 512
_NW = 32
_BPW = _BATCH // _NW
_GCH = 128
_LANES = 16


def _tree_min(x):
    w = x.shape[1]
    while w > 128:
        half = w // 2
        x = jnp.minimum(x[:, :half], x[:, half:])
        w = half
    return jnp.min(x, axis=1, keepdims=True)


_NG = _NUM_CODES // 32


def _argmin_body(z_ref, sumz_ref, et_ref, idx_ref, losssum_ref, counts_ref,
                 acc_ref, sume_ref, g_ref, gid_ref, cacc_ref):
    i = pl.program_id(0)
    n = et_ref.shape[1]
    bm = z_ref.shape[0]

    @pl.when(i == 0)
    def _init():
        et = et_ref[...]
        sume_ref[...] = jnp.sum(et * et, axis=0, keepdims=True)
        jj = lax.broadcasted_iota(jnp.int32, (n, _NG), 0)
        gg = lax.broadcasted_iota(jnp.int32, (n, _NG), 1)
        w = lax.bitcast_convert_type((127 - 2 * (jj & 31)) << 23, jnp.float32)
        g_ref[...] = jnp.where((jj >> 5) == gg, w,
                               jnp.float32(0.0)).astype(jnp.bfloat16)
        gid_ref[...] = lax.broadcasted_iota(
            jnp.int32, (1, _NG), 1).astype(jnp.float32)
        acc_ref[0, 0] = 0.0
        cacc_ref[...] = jnp.zeros_like(cacc_ref)

    z = z_ref[...]
    mm = lax.dot_general(z, et_ref[...], (((1,), (0,)), ((), ())),
                         preferred_element_type=jnp.float32)
    d2 = (sumz_ref[...] + mm * -2.0) + sume_ref[...]
    dist = jnp.sqrt(jnp.maximum(d2, 0.0))
    vmin = _tree_min(dist)
    maskb = (dist == vmin).astype(jnp.bfloat16)
    pres = lax.dot_general(maskb, g_ref[...], (((1,), (0,)), ((), ())),
                           preferred_element_type=jnp.float32)
    gidf = gid_ref[...]
    firstg = _tree_min(jnp.where(pres > 0.0, gidf, jnp.float32(jnp.inf)))
    ohg = (gidf == firstg).astype(jnp.float32)
    psel = jnp.sum(pres * ohg, axis=1, keepdims=True)
    eb = (lax.bitcast_convert_type(psel, jnp.int32) >> 23) & 255
    kk = (127 - eb) >> 1
    first_i = firstg.astype(jnp.int32) * 32 + kk
    idx_ref[...] = first_i[:, 0]
    ohk = (lax.broadcasted_iota(jnp.int32, (bm, 32), 1)
           == kk).astype(jnp.bfloat16)
    cacc_ref[...] += lax.dot_general(ohg.astype(jnp.bfloat16), ohk,
                                     (((0,), (0,)), ((), ())),
                                     preferred_element_type=jnp.float32)
    acc_ref[0, 0] += jnp.sum(vmin * vmin)

    @pl.when(i == pl.num_programs(0) - 1)
    def _done():
        losssum_ref[0, 0] = acc_ref[0, 0]
        counts_ref[...] = cacc_ref[...]


def _argmin_call(z_e, sumz, emb_t):
    m, k = z_e.shape
    n = emb_t.shape[1]
    return pl.pallas_call(
        _argmin_body,
        grid=(m // _BM,),
        in_specs=[
            pl.BlockSpec((_BM, k), lambda i: (i, 0)),
            pl.BlockSpec((_BM, 1), lambda i: (i, 0)),
            pl.BlockSpec((k, n), lambda i: (0, 0)),
        ],
        out_specs=[
            pl.BlockSpec((_BM,), lambda i: (i,)),
            pl.BlockSpec(memory_space=pltpu.SMEM),
            pl.BlockSpec((_NG, 32), lambda i: (0, 0)),
        ],
        out_shape=[
            jax.ShapeDtypeStruct((m,), jnp.int32),
            jax.ShapeDtypeStruct((1, 1), jnp.float32),
            jax.ShapeDtypeStruct((_NG, 32), jnp.float32),
        ],
        scratch_shapes=[
            pltpu.SMEM((1, 1), jnp.float32),
            pltpu.VMEM((1, n), jnp.float32),
            pltpu.VMEM((n, _NG), jnp.bfloat16),
            pltpu.VMEM((1, _NG), jnp.float32),
            pltpu.VMEM((_NG, 32), jnp.float32),
        ],
        compiler_params=pltpu.CompilerParams(
            dimension_semantics=("arbitrary",)),
    )(z_e, sumz, emb_t)


_NCH = _BPW // _GCH
_STRIPE = _NUM_CODES // 16


def _sc_gather_body(emb_hbm, idx_hbm, zq_hbm, idx_v, rows_v, sem):
    wid = lax.axis_index("s") * 2 + lax.axis_index("c")
    base = wid * _BPW

    def _ldidx(j, c):
        pltpu.sync_copy(idx_hbm.at[pl.ds(base + j * _GCH, _GCH)], idx_v.at[j])
        return c
    lax.fori_loop(0, _NCH, _ldidx, 0)

    def _gather(j, c):
        pltpu.async_copy(emb_hbm.at[idx_v.at[j]], rows_v, sem).wait()
        pltpu.sync_copy(rows_v, zq_hbm.at[pl.ds(base + j * _GCH, _GCH)])
        return c
    lax.fori_loop(0, _NCH, _gather, 0)


def _sc_gather(embedding, indices):
    mesh = plsc.VectorSubcoreMesh(core_axis_name="c", subcore_axis_name="s")
    fn = functools.partial(
        pl.kernel,
        mesh=mesh,
        out_type=jax.ShapeDtypeStruct((_BATCH, _EMBED_DIM), jnp.float32),
        scratch_types=[
            pltpu.VMEM((_NCH, _GCH), jnp.int32),
            pltpu.VMEM((_GCH, _EMBED_DIM), jnp.float32),
            pltpu.SemaphoreType.DMA,
        ],
    )(_sc_gather_body)
    return fn(embedding, indices)


def _perp_body(pc_ref, out_ref):
    counts = pc_ref[...]
    p = counts / jnp.float32(_BATCH)
    ent = jnp.sum(p * jnp.log(p + 1e-10))
    out_ref[0, 0] = jnp.exp(-ent)


def _perp_call(pcounts):
    return pl.pallas_call(
        _perp_body,
        out_specs=pl.BlockSpec(memory_space=pltpu.SMEM),
        out_shape=jax.ShapeDtypeStruct((1, 1), jnp.float32),
    )(pcounts)


def kernel(z_e, embedding):
    emb_t = embedding.T
    sumz = jnp.sum(z_e * z_e, axis=1, keepdims=True)
    indices, loss_sum, counts2d = _argmin_call(z_e, sumz, emb_t)
    z_q = _sc_gather(embedding, indices)
    perp = _perp_call(counts2d.reshape(1, _NUM_CODES))
    codebook_loss = loss_sum[0, 0] / jnp.float32(_BATCH * _EMBED_DIM)
    commitment_loss = _COMMITMENT_COST * codebook_loss
    return (z_q, indices, codebook_loss, commitment_loss, perp[0, 0])

# --- scband reference (transcript-rebuilt; emitter-appended) ---
"""Pipeline reference for scband-vector-quantizer-15710990369630 (READ-ONLY COPY).

The authoritative reference and input builder live on the scoring server;
editing this copy changes nothing except your own understanding.
"""

import jax, jax.numpy as jnp
import numpy as np

NUM_CODES = 8192
EMBED_DIM = 256
BATCH = 36864
COMMITMENT_COST = 0.25


def setup_inputs(seed: int = 0) -> dict:
    key = jax.random.key(seed)
    k1, k2 = jax.random.split(key)
    z_e = jax.random.normal(k1, (BATCH, EMBED_DIM), dtype=jnp.float32)
    embedding = jax.random.uniform(k2, (NUM_CODES, EMBED_DIM), dtype=jnp.float32,
                                   minval=-1.0 / NUM_CODES, maxval=1.0 / NUM_CODES)
    return {"z_e": z_e, "embedding": embedding}


def reference(z_e, embedding):
    num_codes = embedding.shape[0]
    # torch.cdist (p=2 euclidean) via expanded quadratic form
    d2 = (jnp.sum(z_e * z_e, axis=1, keepdims=True)
          - 2.0 * (z_e @ embedding.T)
          + jnp.sum(embedding * embedding, axis=1)[None, :])
    distances = jnp.sqrt(jnp.maximum(d2, 0.0))
    indices = jnp.argmin(distances, axis=-1)
    z_q_raw = jnp.take(embedding, indices, axis=0)
    codebook_loss = jnp.mean((jax.lax.stop_gradient(z_q_raw) - z_e) ** 2)
    commitment_loss = COMMITMENT_COST * jnp.mean((z_q_raw - jax.lax.stop_gradient(z_e)) ** 2)
    # straight-through estimator
    z_q = z_e + jax.lax.stop_gradient(z_q_raw - z_e)
    encodings = jax.nn.one_hot(indices, num_codes, dtype=jnp.float32)
    avg_probs = jnp.mean(encodings, axis=0)
    perplexity = jnp.exp(-jnp.sum(avg_probs * jnp.log(avg_probs + 1e-10)))
    return (z_q, indices, codebook_loss, commitment_loss, perplexity)

if __name__ == "__main__":
    import jax
    _d = setup_inputs()
    print(jax.jit(kernel)(*tuple(_d.values())))

</pallas_src>

<mosaic_0001>
#map = affine_map<(d0, d1) -> (0, 0)>
#map1 = affine_map<(d0, d1) -> (0)>
module attributes {stable_mosaic.version = 14 : i64} {
  func.func @_sc_gather_body(%arg0: i32, %arg1: i32, %arg2: memref<8192x256xf32, #tpu.memory_space<hbm>>, %arg3: memref<36864xi32, #tpu.memory_space<hbm>>, %arg4: memref<36864x256xf32, #tpu.memory_space<hbm>>, %arg5: memref<9x128xi32, #tpu.memory_space<vmem>>, %arg6: memref<128x256xf32, #tpu.memory_space<vmem>>, %arg7: memref<!tpu.dma_semaphore, #tpu.memory_space<semaphore_mem>>) attributes {dimension_semantics = [#tpu.dimension_semantics<core_parallel>, #tpu.dimension_semantics<subcore_parallel>], iteration_bounds = array<i64: 2, 16>, scalar_prefetch = 0 : i64, scratch_operands = 3 : i64, tpu.core_type = #tpu.core_type<sc_vector_subcore>, window_params = [{transform_indices = #map}, {transform_indices = #map1}, {transform_indices = #map}]} {
    %mul3A = arith.constant 2 : i32
    %mul3A_0 = arith.muli %arg1, %mul3A : i32
    %add3A = arith.addi %mul3A_0, %arg0 : i32
    %mul3A_1 = arith.constant 1152 : i32
    %mul3A_2 = arith.muli %add3A, %mul3A_1 : i32
    %scan3A = arith.constant 0 : i32
    %scan3A_3 = arith.constant 0 : i32
    %scan3A_4 = arith.constant 9 : i32
    %scan3A_5 = arith.addi %scan3A_3, %scan3A_4 : i32
    %scan3A_6 = arith.constant 1 : i32
    scf.for %scan3A_14 = %scan3A_3 to %scan3A_5 step %scan3A_6  : i32 {
      %mul3A_15 = arith.constant 128 : i32
      %mul3A_16 = arith.muli %scan3A_14, %mul3A_15 : i32
      %add3A_17 = arith.addi %mul3A_2, %mul3A_16 : i32
      "tpu.region"() ({
        %run_scoped3A = tpu.sem_alloc : memref<!tpu.dma_semaphore, #tpu.memory_space<semaphore_mem>>
        %dma_start3A = arith.constant 0 : i32
        %dma_start3A_18 = tpu.memref_slice %arg5[%scan3A_14, %dma_start3A] : memref<9x128xi32, #tpu.memory_space<vmem>> -> memref<1x128xi32, #tpu.memory_space<vmem>>
        %dma_start3A_19 = tpu.memref_squeeze %dma_start3A_18 : memref<1x128xi32, #tpu.memory_space<vmem>> -> memref<128xi32, #tpu.memory_space<vmem>>
        %dma_start3A_20 = tpu.memref_slice %arg3[%add3A_17] : memref<36864xi32, #tpu.memory_space<hbm>> -> memref<128xi32, #tpu.memory_space<hbm>>
        %dma_start3A_21 = arith.constant 0 : i32
        %dma_start3A_22 = tpu.memref_slice %arg5[%scan3A_14, %dma_start3A_21] : memref<9x128xi32, #tpu.memory_space<vmem>> -> memref<1x128xi32, #tpu.memory_space<vmem>>
        %dma_start3A_23 = tpu.memref_squeeze %dma_start3A_22 : memref<1x128xi32, #tpu.memory_space<vmem>> -> memref<128xi32, #tpu.memory_space<vmem>>
        %dma_start3A_24 = tpu.memref_slice %arg3[%add3A_17] : memref<36864xi32, #tpu.memory_space<hbm>> -> memref<128xi32, #tpu.memory_space<hbm>>
        tpu.enqueue_dma source(%dma_start3A_24 : memref<128xi32, #tpu.memory_space<hbm>>) target(%dma_start3A_23 : memref<128xi32, #tpu.memory_space<vmem>>) target_semaphore(%run_scoped3A : memref<!tpu.dma_semaphore, #tpu.memory_space<semaphore_mem>>)
        %dma_wait3A = arith.constant 0 : i32
        %dma_wait3A_25 = tpu.memref_slice %arg5[%scan3A_14, %dma_wait3A] : memref<9x128xi32, #tpu.memory_space<vmem>> -> memref<1x128xi32, #tpu.memory_space<vmem>>
        %dma_wait3A_26 = tpu.memref_squeeze %dma_wait3A_25 : memref<1x128xi32, #tpu.memory_space<vmem>> -> memref<128xi32, #tpu.memory_space<vmem>>
        %dma_wait3A_27 = tpu.memref_slice %arg3[%add3A_17] : memref<36864xi32, #tpu.memory_space<hbm>> -> memref<128xi32, #tpu.memory_space<hbm>>
        %dma_wait3A_28 = arith.constant 0 : i32
        %dma_wait3A_29 = tpu.memref_slice %arg5[%scan3A_14, %dma_wait3A_28] : memref<9x128xi32, #tpu.memory_space<vmem>> -> memref<1x128xi32, #tpu.memory_space<vmem>>
        %dma_wait3A_30 = tpu.memref_squeeze %dma_wait3A_29 : memref<1x128xi32, #tpu.memory_space<vmem>> -> memref<128xi32, #tpu.memory_space<vmem>>
        %dma_wait3A_31 = tpu.memref_slice %arg3[%add3A_17] : memref<36864xi32, #tpu.memory_space<hbm>> -> memref<128xi32, #tpu.memory_space<hbm>>
        tpu.wait_dma2 semaphore(%run_scoped3A : memref<!tpu.dma_semaphore, #tpu.memory_space<semaphore_mem>>) src(%dma_wait3A_31 : memref<128xi32, #tpu.memory_space<hbm>>) dst(%dma_wait3A_30 : memref<128xi32, #tpu.memory_space<vmem>>)
        tpu.yield
      }) : () -> ()
    }
    %scan3A_7 = arith.constant 9 : i32
    %scan3A_8 = arith.constant 0 : i32
    %scan3A_9 = arith.constant 0 : i32
    %scan3A_10 = arith.constant 9 : i32
    %scan3A_11 = arith.addi %scan3A_9, %scan3A_10 : i32
    %scan3A_12 = arith.constant 1 : i32
    scf.for %scan3A_14 = %scan3A_9 to %scan3A_11 step %scan3A_12  : i32 {
      %dma_start3A = arith.constant 0 : i32
      %dma_start3A_15 = tpu.memref_slice %arg5[%scan3A_14, %dma_start3A] : memref<9x128xi32, #tpu.memory_space<vmem>> -> memref<1x128xi32, #tpu.memory_space<vmem>>
      %dma_start3A_16 = tpu.memref_squeeze %dma_start3A_15 : memref<1x128xi32, #tpu.memory_space<vmem>> -> memref<128xi32, #tpu.memory_space<vmem>>
      %dma_start3A_17 = arith.constant 0 : i32
      %dma_start3A_18 = arith.constant 0 : i32
      %dma_start3A_19 = tpu.memref_slice %arg2[%dma_start3A_17, %dma_start3A_18] : memref<8192x256xf32, #tpu.memory_space<hbm>> -> memref<8192x256xf32, #tpu.memory_space<hbm>>
      tpu.enqueue_indirect_dma source(%dma_start3A_19 : memref<8192x256xf32, #tpu.memory_space<hbm>>) target(%arg6 : memref<128x256xf32, #tpu.memory_space<vmem>>) offsets(%dma_start3A_16 : memref<128xi32, #tpu.memory_space<vmem>>) semaphore(%arg7 : memref<!tpu.dma_semaphore, #tpu.memory_space<semaphore_mem>>)
      %dma_wait3A = arith.constant 0 : i32
      %dma_wait3A_20 = tpu.memref_slice %arg5[%scan3A_14, %dma_wait3A] : memref<9x128xi32, #tpu.memory_space<vmem>> -> memref<1x128xi32, #tpu.memory_space<vmem>>
      %dma_wait3A_21 = tpu.memref_squeeze %dma_wait3A_20 : memref<1x128xi32, #tpu.memory_space<vmem>> -> memref<128xi32, #tpu.memory_space<vmem>>
      %dma_wait3A_22 = arith.constant 0 : i32
      %dma_wait3A_23 = arith.constant 0 : i32
      %dma_wait3A_24 = tpu.memref_slice %arg2[%dma_wait3A_22, %dma_wait3A_23] : memref<8192x256xf32, #tpu.memory_space<hbm>> -> memref<8192x256xf32, #tpu.memory_space<hbm>>
      tpu.wait_indirect_dma semaphore(%arg7 : memref<!tpu.dma_semaphore, #tpu.memory_space<semaphore_mem>>) src(%dma_wait3A_24 : memref<8192x256xf32, #tpu.memory_space<hbm>>) dst(%arg6 : memref<128x256xf32, #tpu.memory_space<vmem>>)
      %mul3A_25 = arith.constant 128 : i32
      %mul3A_26 = arith.muli %scan3A_14, %mul3A_25 : i32
      %add3A_27 = arith.addi %mul3A_2, %mul3A_26 : i32
      "tpu.region"() ({
        %run_scoped3A = tpu.sem_alloc : memref<!tpu.dma_semaphore, #tpu.memory_space<semaphore_mem>>
        %dma_start3A_28 = arith.constant 0 : i32
        %dma_start3A_29 = tpu.memref_slice %arg4[%add3A_27, %dma_start3A_28] : memref<36864x256xf32, #tpu.memory_space<hbm>> -> memref<128x256xf32, #tpu.memory_space<hbm>>
        %dma_start3A_30 = arith.constant 0 : i32
        %dma_start3A_31 = tpu.memref_slice %arg4[%add3A_27, %dma_start3A_30] : memref<36864x256xf32, #tpu.memory_space<hbm>> -> memref<128x256xf32, #tpu.memory_space<hbm>>
        tpu.enqueue_dma source(%arg6 : memref<128x256xf32, #tpu.memory_space<vmem>>) target(%dma_start3A_31 : memref<128x256xf32, #tpu.memory_space<hbm>>) target_semaphore(%run_scoped3A : memref<!tpu.dma_semaphore, #tpu.memory_space<semaphore_mem>>)
        %dma_wait3A_32 = arith.constant 0 : i32
        %dma_wait3A_33 = tpu.memref_slice %arg4[%add3A_27, %dma_wait3A_32] : memref<36864x256xf32, #tpu.memory_space<hbm>> -> memref<128x256xf32, #tpu.memory_space<hbm>>
        %dma_wait3A_34 = arith.constant 0 : i32
        %dma_wait3A_35 = tpu.memref_slice %arg4[%add3A_27, %dma_wait3A_34] : memref<36864x256xf32, #tpu.memory_space<hbm>> -> memref<128x256xf32, #tpu.memory_space<hbm>>
        tpu.wait_dma2 semaphore(%run_scoped3A : memref<!tpu.dma_semaphore, #tpu.memory_space<semaphore_mem>>) src(%arg6 : memref<128x256xf32, #tpu.memory_space<vmem>>) dst(%dma_wait3A_35 : memref<128x256xf32, #tpu.memory_space<hbm>>)
        tpu.yield
      }) : () -> ()
    }
    %scan3A_13 = arith.constant 9 : i32
    return
  }
}

module attributes {stable_mosaic.version = 14 : i64} {
  func.func @_argmin_body(%arg0: i32, %arg1: memref<512x256xf32, #tpu.memory_space<vmem>>, %arg2: memref<512x1xf32, #tpu.memory_space<vmem>>, %arg3: memref<256x8192xf32, #tpu.memory_space<vmem>>, %arg4: memref<512xi32, #tpu.memory_space<vmem>>, %arg5: memref<1x1xf32, #tpu.memory_space<smem>>, %arg6: memref<256x32xf32, #tpu.memory_space<vmem>>, %arg7: memref<1x1xf32, #tpu.memory_space<smem>>, %arg8: memref<1x8192xf32, #tpu.memory_space<vmem>>, %arg9: memref<8192x256xbf16, #tpu.memory_space<vmem>>, %arg10: memref<1x256xf32, #tpu.memory_space<vmem>>, %arg11: memref<256x32xf32, #tpu.memory_space<vmem>>) attributes {dimension_semantics = [#tpu.dimension_semantics<arbitrary>], iteration_bounds = array<i64: 72>, scalar_prefetch = 0 : i64, scratch_operands = 5 : i64, tpu.core_type = #tpu.core_type<tc>, window_params = [{transform_indices = @transform_0, window_bounds = array<i64: 512, 256>}, {transform_indices = @transform_1, window_bounds = array<i64: 512, 1>}, {pipeline_mode = #tpu.pipeline_mode<synchronous>, transform_indices = @transform_2, window_bounds = array<i64: 256, 8192>}, {transform_indices = @transform_3, window_bounds = array<i64: 512>}, {transform_indices = @transform_4, window_bounds = array<i64: 1, 1>}, {pipeline_mode = #tpu.pipeline_mode<synchronous>, transform_indices = @transform_5, window_bounds = array<i64: 256, 32>}]} {
    %eq3A = arith.constant 0 : i32
    %eq3A_0 = arith.cmpi eq, %arg0, %eq3A : i32
    %convert_element_type3A = arith.extui %eq3A_0 : i1 to i32
    %cond3A = arith.constant 0 : i32
    %cond3A_1 = arith.cmpi ne, %convert_element_type3A, %cond3A : i32
    scf.if %cond3A_1 {
      %get3A_118 = arith.constant 0 : index
      %get3A_119 = arith.constant 0 : index
      %get3A_120 = vector.load %arg3[%get3A_118, %get3A_119] : memref<256x8192xf32, #tpu.memory_space<vmem>>, vector<256x8192xf32>
      %mul3A_121 = arith.mulf %get3A_120, %get3A_120 : vector<256x8192xf32>
      %reduce_sum3A_122 = arith.constant dense<0.000000e+00> : vector<8192xf32>
      %reduce_sum3A_123 = vector.multi_reduction <add>, %mul3A_121, %reduce_sum3A_122 [0] : vector<256x8192xf32> to vector<8192xf32>
      %broadcast_in_dim3A_124 = vector.shape_cast %reduce_sum3A_123 : vector<8192xf32> to vector<1x8192xf32>
      %swap3A_125 = arith.constant 0 : index
      %swap3A_126 = arith.constant 0 : index
      %swap3A_127 = vector.load %arg8[%swap3A_125, %swap3A_126] : memref<1x8192xf32, #tpu.memory_space<vmem>>, vector<1x8192xf32>
      tpu.vector_store %arg8[%swap3A_125, %swap3A_126], %broadcast_in_dim3A_124 {strides = array<i32>} : memref<1x8192xf32, #tpu.memory_space<vmem>>, vector<1x8192xf32>,
      %iota3A_128 = tpu.iota {dimensions = array<i32: 0>} : vector<8192x256xi32>
      %iota3A_129 = tpu.iota {dimensions = array<i32: 1>} : vector<8192x256xi32>
      %and3A_130 = arith.constant 31 : i32
      %and3A_131 = vector.broadcast %and3A_130 : i32 to vector<8192x256xi32>
      %and3A_132 = arith.andi %iota3A_128, %and3A_131 : vector<8192x256xi32>
      %mul3A_133 = arith.constant 2 : i32
      %mul3A_134 = vector.broadcast %mul3A_133 : i32 to vector<8192x256xi32>
      %mul3A_135 = arith.muli %mul3A_134, %and3A_132 : vector<8192x256xi32>
      %sub3A_136 = arith.constant 127 : i32
      %sub3A_137 = vector.broadcast %sub3A_136 : i32 to vector<8192x256xi32>
      %sub3A_138 = arith.subi %sub3A_137, %mul3A_135 : vector<8192x256xi32>
      %shift_left3A = arith.constant 23 : i32
      %shift_left3A_139 = vector.broadcast %shift_left3A : i32 to vector<8192x256xi32>
      %shift_left3A_140 = arith.shli %sub3A_138, %shift_left3A_139 : vector<8192x256xi32>
      %bitcast_convert_type3A_141 = tpu.bitcast %shift_left3A_140 : vector<8192x256xi32> -> vector<8192x256xf32>
      %shift_right_arithmetic3A_142 = arith.constant 5 : i32
      %shift_right_arithmetic3A_143 = vector.broadcast %shift_right_arithmetic3A_142 : i32 to vector<8192x256xi32>
      %shift_right_arithmetic3A_144 = arith.shrsi %iota3A_128, %shift_right_arithmetic3A_143 : vector<8192x256xi32>
      %eq3A_145 = arith.cmpi eq, %shift_right_arithmetic3A_144, %iota3A_129 : vector<8192x256xi32>
      %jit3A_146 = arith.constant 0.000000e+00 : f32
      %broadcast_in_dim3A_147 = vector.broadcast %jit3A_146 : f32 to vector<8192x256xf32>
      %select_n3A_148 = arith.select %eq3A_145, %bitcast_convert_type3A_141, %broadcast_in_dim3A_147 : vector<8192x256xi1>, vector<8192x256xf32>
      %convert_element_type3A_149 = arith.truncf %select_n3A_148 : vector<8192x256xf32> to vector<8192x256xbf16>
      %swap3A_150 = arith.constant 0 : index
      %swap3A_151 = arith.constant 0 : index
      %swap3A_152 = vector.load %arg9[%swap3A_150, %swap3A_151] : memref<8192x256xbf16, #tpu.memory_space<vmem>>, vector<8192x256xbf16>
      tpu.vector_store %arg9[%swap3A_150, %swap3A_151], %convert_element_type3A_149 {strides = array<i32>} : memref<8192x256xbf16, #tpu.memory_space<vmem>>, vector<8192x256xbf16>,
      %iota3A_153 = tpu.iota {dimensions = array<i32: 1>} : vector<1x256xi32>
      %convert_element_type3A_154 = arith.sitofp %iota3A_153 : vector<1x256xi32> to vector<1x256xf32>
      %swap3A_155 = arith.constant 0 : index
      %swap3A_156 = arith.constant 0 : index
      %swap3A_157 = vector.load %arg10[%swap3A_155, %swap3A_156] : memref<1x256xf32, #tpu.memory_space<vmem>>, vector<1x256xf32>
      tpu.vector_store %arg10[%swap3A_155, %swap3A_156], %convert_element_type3A_154 {strides = array<i32>} : memref<1x256xf32, #tpu.memory_space<vmem>>, vector<1x256xf32>,
      %swap3A_158 = arith.constant 0.000000e+00 : f32
      %swap3A_159 = arith.constant 0 : index
      %swap3A_160 = arith.constant 0 : index
      %swap3A_161 = memref.load %arg7[%swap3A_159, %swap3A_160] : memref<1x1xf32, #tpu.memory_space<smem>>
      memref.store %swap3A_158, %arg7[%swap3A_159, %swap3A_160] : memref<1x1xf32, #tpu.memory_space<smem>>
      %broadcast_in_dim3A_162 = arith.constant 0.000000e+00 : f32
      %broadcast_in_dim3A_163 = vector.broadcast %broadcast_in_dim3A_162 : f32 to vector<256x32xf32>
      %swap3A_164 = arith.constant 0 : index
      %swap3A_165 = arith.constant 0 : index
      %swap3A_166 = vector.load %arg11[%swap3A_164, %swap3A_165] : memref<256x32xf32, #tpu.memory_space<vmem>>, vector<256x32xf32>
      tpu.vector_store %arg11[%swap3A_164, %swap3A_165], %broadcast_in_dim3A_163 {strides = array<i32>} : memref<256x32xf32, #tpu.memory_space<vmem>>, vector<256x32xf32>,
    } else {
    }
    %get3A = arith.constant 0 : index
    %get3A_2 = arith.constant 0 : index
    %get3A_3 = vector.load %arg1[%get3A, %get3A_2] : memref<512x256xf32, #tpu.memory_space<vmem>>, vector<512x256xf32>
    %get3A_4 = arith.constant 0 : index
    %get3A_5 = arith.constant 0 : index
    %get3A_6 = vector.load %arg3[%get3A_4, %get3A_5] : memref<256x8192xf32, #tpu.memory_space<vmem>>, vector<256x8192xf32>
    %dot_general3A = arith.constant dense<0.000000e+00> : vector<512x8192xf32>
    %dot_general3A_7 = tpu.matmul %get3A_3, %get3A_6, %dot_general3A {dimension_numbers = #tpu.dot_dimension_numbers<[1], [0], [0], [1], [0, 0, 1, 1], [], []>, transpose_lhs_hint = false} : vector<512x256xf32>, vector<256x8192xf32>, vector<512x8192xf32> -> vector<512x8192xf32>
    %get3A_8 = arith.constant 0 : index
    %get3A_9 = arith.constant 0 : index
    %get3A_10 = vector.load %arg2[%get3A_8, %get3A_9] : memref<512x1xf32, #tpu.memory_space<vmem>>, vector<512x1xf32>
    %mul3A = arith.constant -2.000000e+00 : f32
    %mul3A_11 = vector.broadcast %mul3A : f32 to vector<512x8192xf32>
    %mul3A_12 = arith.mulf %dot_general3A_7, %mul3A_11 : vector<512x8192xf32>
    %add3A = vector.broadcast %get3A_10 : vector<512x1xf32> to vector<512x8192xf32>
    %add3A_13 = arith.addf %add3A, %mul3A_12 : vector<512x8192xf32>
    %get3A_14 = arith.constant 0 : index
    %get3A_15 = arith.constant 0 : index
    %get3A_16 = vector.load %arg8[%get3A_14, %get3A_15] : memref<1x8192xf32, #tpu.memory_space<vmem>>, vector<1x8192xf32>
    %add3A_17 = vector.broadcast %get3A_16 : vector<1x8192xf32> to vector<512x8192xf32>
    %add3A_18 = arith.addf %add3A_13, %add3A_17 : vector<512x8192xf32>
    %max3A = arith.constant 0.000000e+00 : f32
    %max3A_19 = vector.broadcast %max3A : f32 to vector<512x8192xf32>
    %max3A_20 = arith.maximumf %add3A_18, %max3A_19 : vector<512x8192xf32>
    %sqrt3A = math.sqrt %max3A_20 : vector<512x8192xf32>
    %slice3A = vector.extract_strided_slice %sqrt3A {offsets = [0, 0], sizes = [512, 4096], strides = [1, 1]} : vector<512x8192xf32> to vector<512x4096xf32>
    %slice3A_21 = vector.extract_strided_slice %sqrt3A {offsets = [0, 4096], sizes = [512, 4096], strides = [1, 1]} : vector<512x8192xf32> to vector<512x4096xf32>
    %min3A = arith.minimumf %slice3A, %slice3A_21 : vector<512x4096xf32>
    %slice3A_22 = vector.extract_strided_slice %min3A {offsets = [0, 0], sizes = [512, 2048], strides = [1, 1]} : vector<512x4096xf32> to vector<512x2048xf32>
    %slice3A_23 = vector.extract_strided_slice %min3A {offsets = [0, 2048], sizes = [512, 2048], strides = [1, 1]} : vector<512x4096xf32> to vector<512x2048xf32>
    %min3A_24 = arith.minimumf %slice3A_22, %slice3A_23 : vector<512x2048xf32>
    %slice3A_25 = vector.extract_strided_slice %min3A_24 {offsets = [0, 0], sizes = [512, 1024], strides = [1, 1]} : vector<512x2048xf32> to vector<512x1024xf32>
    %slice3A_26 = vector.extract_strided_slice %min3A_24 {offsets = [0, 1024], sizes = [512, 1024], strides = [1, 1]} : vector<512x2048xf32> to vector<512x1024xf32>
    %min3A_27 = arith.minimumf %slice3A_25, %slice3A_26 : vector<512x1024xf32>
    %slice3A_28 = vector.extract_strided_slice %min3A_27 {offsets = [0, 0], sizes = [512, 512], strides = [1, 1]} : vector<512x1024xf32> to vector<512x512xf32>
    %slice3A_29 = vector.extract_strided_slice %min3A_27 {offsets = [0, 512], sizes = [512, 512], strides = [1, 1]} : vector<512x1024xf32> to vector<512x512xf32>
    %min3A_30 = arith.minimumf %slice3A_28, %slice3A_29 : vector<512x512xf32>
    %slice3A_31 = vector.extract_strided_slice %min3A_30 {offsets = [0, 0], sizes = [512, 256], strides = [1, 1]} : vector<512x512xf32> to vector<512x256xf32>
    %slice3A_32 = vector.extract_strided_slice %min3A_30 {offsets = [0, 256], sizes = [512, 256], strides = [1, 1]} : vector<512x512xf32> to vector<512x256xf32>
    %min3A_33 = arith.minimumf %slice3A_31, %slice3A_32 : vector<512x256xf32>
    %slice3A_34 = vector.extract_strided_slice %min3A_33 {offsets = [0, 0], sizes = [512, 128], strides = [1, 1]} : vector<512x256xf32> to vector<512x128xf32>
    %slice3A_35 = vector.extract_strided_slice %min3A_33 {offsets = [0, 128], sizes = [512, 128], strides = [1, 1]} : vector<512x256xf32> to vector<512x128xf32>
    %min3A_36 = arith.minimumf %slice3A_34, %slice3A_35 : vector<512x128xf32>
    %reduce_min3A = arith.constant dense<0x7F800000> : vector<512xf32>
    %reduce_min3A_37 = vector.multi_reduction <minimumf>, %min3A_36, %reduce_min3A [1] : vector<512x128xf32> to vector<512xf32>
    %broadcast_in_dim3A = vector.shape_cast %reduce_min3A_37 : vector<512xf32> to vector<512x1xf32>
    %eq3A_38 = vector.broadcast %broadcast_in_dim3A : vector<512x1xf32> to vector<512x8192xf32>
    %eq3A_39 = arith.cmpf oeq, %sqrt3A, %eq3A_38 : vector<512x8192xf32>
    %convert_element_type3A_40 = arith.extui %eq3A_39 : vector<512x8192xi1> to vector<512x8192xi32>
    %convert_element_type3A_41 = arith.sitofp %convert_element_type3A_40 : vector<512x8192xi32> to vector<512x8192xf32>
    %convert_element_type3A_42 = arith.truncf %convert_element_type3A_41 : vector<512x8192xf32> to vector<512x8192xbf16>
    %get3A_43 = arith.constant 0 : index
    %get3A_44 = arith.constant 0 : index
    %get3A_45 = vector.load %arg9[%get3A_43, %get3A_44] : memref<8192x256xbf16, #tpu.memory_space<vmem>>, vector<8192x256xbf16>
    %dot_general3A_46 = arith.constant dense<0.000000e+00> : vector<512x256xf32>
    %dot_general3A_47 = tpu.matmul %convert_element_type3A_42, %get3A_45, %dot_general3A_46 {dimension_numbers = #tpu.dot_dimension_numbers<[1], [0], [0], [1], [0, 0, 1, 1], [], []>, transpose_lhs_hint = false} : vector<512x8192xbf16>, vector<8192x256xbf16>, vector<512x256xf32> -> vector<512x256xf32>
    %get3A_48 = arith.constant 0 : index
    %get3A_49 = arith.constant 0 : index
    %get3A_50 = vector.load %arg10[%get3A_48, %get3A_49] : memref<1x256xf32, #tpu.memory_space<vmem>>, vector<1x256xf32>
    %gt3A = arith.constant 0.000000e+00 : f32
    %gt3A_51 = vector.broadcast %gt3A : f32 to vector<512x256xf32>
    %gt3A_52 = arith.cmpf ogt, %dot_general3A_47, %gt3A_51 : vector<512x256xf32>
    %jit3A = arith.constant 0x7F800000 : f32
    %broadcast_in_dim3A_53 = vector.shape_cast %get3A_50 : vector<1x256xf32> to vector<1x256xf32>
    %broadcast_in_dim3A_54 = vector.broadcast %broadcast_in_dim3A_53 : vector<1x256xf32> to vector<512x256xf32>
    %broadcast_in_dim3A_55 = vector.broadcast %jit3A : f32 to vector<512x256xf32>
    %select_n3A = arith.select %gt3A_52, %broadcast_in_dim3A_54, %broadcast_in_dim3A_55 : vector<512x256xi1>, vector<512x256xf32>
    %slice3A_56 = vector.extract_strided_slice %select_n3A {offsets = [0, 0], sizes = [512, 128], strides = [1, 1]} : vector<512x256xf32> to vector<512x128xf32>
    %slice3A_57 = vector.extract_strided_slice %select_n3A {offsets = [0, 128], sizes = [512, 128], strides = [1, 1]} : vector<512x256xf32> to vector<512x128xf32>
    %min3A_58 = arith.minimumf %slice3A_56, %slice3A_57 : vector<512x128xf32>
    %reduce_min3A_59 = arith.constant dense<0x7F800000> : vector<512xf32>
    %reduce_min3A_60 = vector.multi_reduction <minimumf>, %min3A_58, %reduce_min3A_59 [1] : vector<512x128xf32> to vector<512xf32>
    %broadcast_in_dim3A_61 = vector.shape_cast %reduce_min3A_60 : vector<512xf32> to vector<512x1xf32>
    %eq3A_62 = vector.broadcast %get3A_50 : vector<1x256xf32> to vector<512x256xf32>
    %eq3A_63 = vector.broadcast %broadcast_in_dim3A_61 : vector<512x1xf32> to vector<512x256xf32>
    %eq3A_64 = arith.cmpf oeq, %eq3A_62, %eq3A_63 : vector<512x256xf32>
    %convert_element_type3A_65 = arith.extui %eq3A_64 : vector<512x256xi1> to vector<512x256xi32>
    %convert_element_type3A_66 = arith.sitofp %convert_element_type3A_65 : vector<512x256xi32> to vector<512x256xf32>
    %mul3A_67 = arith.mulf %dot_general3A_47, %convert_element_type3A_66 : vector<512x256xf32>
    %reduce_sum3A = arith.constant dense<0.000000e+00> : vector<512xf32>
    %reduce_sum3A_68 = vector.multi_reduction <add>, %mul3A_67, %reduce_sum3A [1] : vector<512x256xf32> to vector<512xf32>
    %broadcast_in_dim3A_69 = vector.shape_cast %reduce_sum3A_68 : vector<512xf32> to vector<512x1xf32>
    %bitcast_convert_type3A = tpu.bitcast %broadcast_in_dim3A_69 : vector<512x1xf32> -> vector<512x1xi32>
    %shift_right_arithmetic3A = arith.constant 23 : i32
    %shift_right_arithmetic3A_70 = vector.broadcast %shift_right_arithmetic3A : i32 to vector<512x1xi32>
    %shift_right_arithmetic3A_71 = arith.shrsi %bitcast_convert_type3A, %shift_right_arithmetic3A_70 : vector<512x1xi32>
    %and3A = arith.constant 255 : i32
    %and3A_72 = vector.broadcast %and3A : i32 to vector<512x1xi32>
    %and3A_73 = arith.andi %shift_right_arithmetic3A_71, %and3A_72 : vector<512x1xi32>
    %sub3A = arith.constant 127 : i32
    %sub3A_74 = vector.broadcast %sub3A : i32 to vector<512x1xi32>
    %sub3A_75 = arith.subi %sub3A_74, %and3A_73 : vector<512x1xi32>
    %shift_right_arithmetic3A_76 = arith.constant 1 : i32
    %shift_right_arithmetic3A_77 = vector.broadcast %shift_right_arithmetic3A_76 : i32 to vector<512x1xi32>
    %shift_right_arithmetic3A_78 = arith.shrsi %sub3A_75, %shift_right_arithmetic3A_77 : vector<512x1xi32>
    %convert_element_type3A_79 = arith.fptosi %broadcast_in_dim3A_61 : vector<512x1xf32> to vector<512x1xi32>
    %mul3A_80 = arith.constant 32 : i32
    %mul3A_81 = vector.broadcast %mul3A_80 : i32 to vector<512x1xi32>
    %mul3A_82 = arith.muli %convert_element_type3A_79, %mul3A_81 : vector<512x1xi32>
    %add3A_83 = arith.addi %mul3A_82, %shift_right_arithmetic3A_78 : vector<512x1xi32>
    %squeeze3A = vector.shape_cast %add3A_83 : vector<512x1xi32> to vector<512xi32>
    %swap3A = arith.constant 0 : index
    %swap3A_84 = vector.load %arg4[%swap3A] : memref<512xi32, #tpu.memory_space<vmem>>, vector<512xi32>
    tpu.vector_store %arg4[%swap3A], %squeeze3A {strides = array<i32>} : memref<512xi32, #tpu.memory_space<vmem>>, vector<512xi32>,
    %iota3A = tpu.iota {dimensions = array<i32: 1>} : vector<512x32xi32>
    %eq3A_85 = vector.broadcast %shift_right_arithmetic3A_78 : vector<512x1xi32> to vector<512x32xi32>
    %eq3A_86 = arith.cmpi eq, %iota3A, %eq3A_85 : vector<512x32xi32>
    %convert_element_type3A_87 = arith.extui %eq3A_86 : vector<512x32xi1> to vector<512x32xi32>
    %convert_element_type3A_88 = arith.sitofp %convert_element_type3A_87 : vector<512x32xi32> to vector<512x32xf32>
    %convert_element_type3A_89 = arith.truncf %convert_element_type3A_88 : vector<512x32xf32> to vector<512x32xbf16>
    %get3A_90 = arith.constant 0 : index
    %get3A_91 = arith.constant 0 : index
    %get3A_92 = vector.load %arg11[%get3A_90, %get3A_91] : memref<256x32xf32, #tpu.memory_space<vmem>>, vector<256x32xf32>
    %convert_element_type3A_93 = arith.truncf %convert_element_type3A_66 : vector<512x256xf32> to vector<512x256xbf16>
    %dot_general3A_94 = arith.constant dense<0.000000e+00> : vector<256x32xf32>
    %dot_general3A_95 = tpu.matmul %convert_element_type3A_93, %convert_element_type3A_89, %dot_general3A_94 {dimension_numbers = #tpu.dot_dimension_numbers<[0], [0], [1], [1], [0, 1, 1, 1], [], []>, transpose_lhs_hint = false} : vector<512x256xbf16>, vector<512x32xbf16>, vector<256x32xf32> -> vector<256x32xf32>
    %add3A_96 = arith.addf %get3A_92, %dot_general3A_95 : vector<256x32xf32>
    %swap3A_97 = arith.constant 0 : index
    %swap3A_98 = arith.constant 0 : index
    %swap3A_99 = vector.load %arg11[%swap3A_97, %swap3A_98] : memref<256x32xf32, #tpu.memory_space<vmem>>, vector<256x32xf32>
    tpu.vector_store %arg11[%swap3A_97, %swap3A_98], %add3A_96 {strides = array<i32>} : memref<256x32xf32, #tpu.memory_space<vmem>>, vector<256x32xf32>,
    %get3A_100 = arith.constant 0 : index
    %get3A_101 = arith.constant 0 : index
    %get3A_102 = memref.load %arg7[%get3A_100, %get3A_101] : memref<1x1xf32, #tpu.memory_space<smem>>
    %mul3A_103 = arith.mulf %broadcast_in_dim3A, %broadcast_in_dim3A : vector<512x1xf32>
    %reduce_sum3A_104 = vector.shape_cast %mul3A_103 : vector<512x1xf32> to vector<1x512x1xf32>
    %reduce_sum3A_105 = arith.constant dense<0.000000e+00> : vector<1xf32>
    %reduce_sum3A_106 = vector.multi_reduction <add>, %reduce_sum3A_104, %reduce_sum3A_105 [1, 2] : vector<1x512x1xf32> to vector<1xf32>
    %reduce_sum3A_107 = vector.shape_cast %reduce_sum3A_106 : vector<1xf32> to vector<1x1x1xf32>
    %reduce_sum3A_108 = vector.extract %reduce_sum3A_107[0, 0, 0] : f32 from vector<1x1x1xf32>
    %add3A_109 = arith.addf %get3A_102, %reduce_sum3A_108 : f32
    %swap3A_110 = arith.constant 0 : index
    %swap3A_111 = arith.constant 0 : index
    %swap3A_112 = memref.load %arg7[%swap3A_110, %swap3A_111] : memref<1x1xf32, #tpu.memory_space<smem>>
    memref.store %add3A_109, %arg7[%swap3A_110, %swap3A_111] : memref<1x1xf32, #tpu.memory_space<smem>>
    %eq3A_113 = arith.constant 71 : i32
    %eq3A_114 = arith.cmpi eq, %arg0, %eq3A_113 : i32
    %convert_element_type3A_115 = arith.extui %eq3A_114 : i1 to i32
    %cond3A_116 = arith.constant 0 : i32
    %cond3A_117 = arith.cmpi ne, %convert_element_type3A_115, %cond3A_116 : i32
    scf.if %cond3A_117 {
      %get3A_118 = arith.constant 0 : index
      %get3A_119 = arith.constant 0 : index
      %get3A_120 = memref.load %arg7[%get3A_118, %get3A_119] : memref<1x1xf32, #tpu.memory_space<smem>>
      %swap3A_121 = arith.constant 0 : index
      %swap3A_122 = arith.constant 0 : index
      %swap3A_123 = memref.load %arg5[%swap3A_121, %swap3A_122] : memref<1x1xf32, #tpu.memory_space<smem>>
      memref.store %get3A_120, %arg5[%swap3A_121, %swap3A_122] : memref<1x1xf32, #tpu.memory_space<smem>>
      %get3A_124 = arith.constant 0 : index
      %get3A_125 = arith.constant 0 : index
      %get3A_126 = vector.load %arg11[%get3A_124, %get3A_125] : memref<256x32xf32, #tpu.memory_space<vmem>>, vector<256x32xf32>
      %swap3A_127 = arith.constant 0 : index
      %swap3A_128 = arith.constant 0 : index
      %swap3A_129 = vector.load %arg6[%swap3A_127, %swap3A_128] : memref<256x32xf32, #tpu.memory_space<vmem>>, vector<256x32xf32>
      tpu.vector_store %arg6[%swap3A_127, %swap3A_128], %get3A_126 {strides = array<i32>} : memref<256x32xf32, #tpu.memory_space<vmem>>, vector<256x32xf32>,
    } else {
    }
    return
  }
  func.func @transform_0(%arg0: i32) -> (i32, i32) {
    %c0_i32 = arith.constant 0 : i32
    %c0_i32_0 = arith.constant 0 : i32
    return %arg0, %c0_i32 : i32, i32
  }
  func.func @transform_1(%arg0: i32) -> (i32, i32) {
    %c0_i32 = arith.constant 0 : i32
    %c0_i32_0 = arith.constant 0 : i32
    return %arg0, %c0_i32 : i32, i32
  }
  func.func @transform_2(%arg0: i32) -> (i32, i32) {
    %c0_i32 = arith.constant 0 : i32
    %c0_i32_0 = arith.constant 0 : i32
    %c0_i32_1 = arith.constant 0 : i32
    return %c0_i32, %c0_i32_0 : i32, i32
  }
  func.func @transform_3(%arg0: i32) -> i32 {
    %c0_i32 = arith.constant 0 : i32
    return %arg0 : i32
  }
  func.func @transform_4(%arg0: i32) -> (i32, i32) {
    %c0_i32 = arith.constant 0 : i32
    %c0_i32_0 = arith.constant 0 : i32
    %c0_i32_1 = arith.constant 0 : i32
    return %c0_i32, %c0_i32_0 : i32, i32
  }
  func.func @transform_5(%arg0: i32) -> (i32, i32) {
    %c0_i32 = arith.constant 0 : i32
    %c0_i32_0 = arith.constant 0 : i32
    %c0_i32_1 = arith.constant 0 : i32
    return %c0_i32, %c0_i32_0 : i32, i32
  }
}

module attributes {stable_mosaic.version = 14 : i64} {
  func.func @_perp_body(%arg0: memref<1x8192xf32, #tpu.memory_space<vmem>>, %arg1: memref<1x1xf32, #tpu.memory_space<smem>>) attributes {dimension_semantics = [], scalar_prefetch = 0 : i64, scratch_operands = 0 : i64, tpu.core_type = #tpu.core_type<tc>} {
    %get3A = arith.constant 0 : index
    %get3A_0 = arith.constant 0 : index
    %get3A_1 = vector.load %arg0[%get3A, %get3A_0] : memref<1x8192xf32, #tpu.memory_space<vmem>>, vector<1x8192xf32>
    %div3A = arith.constant 3.686400e+04 : f32
    %div3A_2 = vector.broadcast %div3A : f32 to vector<1x8192xf32>
    %div3A_3 = arith.divf %get3A_1, %div3A_2 : vector<1x8192xf32>
    %add3A = arith.constant 1.000000e-10 : f32
    %add3A_4 = vector.broadcast %add3A : f32 to vector<1x8192xf32>
    %add3A_5 = arith.addf %div3A_3, %add3A_4 : vector<1x8192xf32>
    %log3A = math.log %add3A_5 : vector<1x8192xf32>
    %mul3A = arith.mulf %div3A_3, %log3A : vector<1x8192xf32>
    %reduce_sum3A = vector.shape_cast %mul3A : vector<1x8192xf32> to vector<1x1x8192xf32>
    %reduce_sum3A_6 = arith.constant dense<0.000000e+00> : vector<1xf32>
    %reduce_sum3A_7 = vector.multi_reduction <add>, %reduce_sum3A, %reduce_sum3A_6 [1, 2] : vector<1x1x8192xf32> to vector<1xf32>
    %reduce_sum3A_8 = vector.shape_cast %reduce_sum3A_7 : vector<1xf32> to vector<1x1x1xf32>
    %reduce_sum3A_9 = vector.extract %reduce_sum3A_8[0, 0, 0] : f32 from vector<1x1x1xf32>
    %neg3A = arith.constant 0.000000e+00 : f32
    %neg3A_10 = arith.subf %neg3A, %reduce_sum3A_9 : f32
    %exp3A = math.exp %neg3A_10 : f32
    %swap3A = arith.constant 0 : index
    %swap3A_11 = arith.constant 0 : index
    %swap3A_12 = memref.load %arg1[%swap3A, %swap3A_11] : memref<1x1xf32, #tpu.memory_space<smem>>
    memref.store %exp3A, %arg1[%swap3A, %swap3A_11] : memref<1x1xf32, #tpu.memory_space<smem>>
    return
  }
}

</mosaic_0001>

<sc_bundles>
// kernel: kernel.5.cloned.1.call-start
scs
__scs_entry_jumppad:
0x0: {  	(pc) =	sbr.rel $0x88, $3  }
0x1: {  	(tag) =	ssettag $0x0;
	lr =	simm.s32 $0x1  }
0x2: {  	[smem:$0x3F9F] =	sst lr;
	_ =	strace $0xD0000000  }
0x3: {  	_ = 	snop  }
0x4: {  	_ = 	snop  }
0x5: {  	_ = 	snop  }
0x6: {  	_ = 	snop  }
0x7: {  	_ = 	snop  }
__scs_overlays_trampoline_lowered:
0x8: {  	[smem:$0x3FAE] =	sst s0  }
0x9: {  	[smem:$0x3FAF] =	sst s1  }
0xa: {  	[smem:$0x3FB0] =	sst s2  }
0xb: {  	[smem:$0x3FB1] =	sst s3  }
0xc: {  	[smem:$0x3FB2] =	sst s4  }
0xd: {  	[smem:$0x3FB3] =	sst s5  }
0xe: {  	[smem:$0x3FB4] =	sst s6  }
0xf: {  	[smem:$0x3FB5] =	sst s7  }
0x10: {  	[smem:$0x3FB6] =	sst s8  }
0x11: {  	[smem:$0x3FB7] =	sst s9;
	s0 =	simm.s32 @!p0 $0x0  }
0x12: {  	s1 =	sld [smem:$0x3F9D];
	s0 =	simm.s32 @p0 $0x1  }
0x13: {  	[smem:$0x3FB8] =	sst s0;
	s0 =	simm.s32 @!p1 $0x0  }
0x14: {  	s2 =	sld [smem:$0x3F9C];
	s0 =	simm.s32 @p1 $0x1  }
0x15: {  	[smem:$0x3FB9] =	sst s0;
	s0 =	simm.s32 @!p2 $0x0  }
0x16: {  	s3 =	sld [smem:$0x3FDB];
	s0 =	simm.s32 @p2 $0x1  }
0x17: {  	s4 =	simm.s32 $0x1BF5;
	[smem:$0x3FBB] =	sst s0  }
0x18: {  	s0 =	sld [smem:$0x3F9E];
	_ =	swait.ge [sflag:s4], $0x0  }
0x19: {  	s7 =	sld [smem:$0x3F9F]  }
0x1a: {  	s8 =	sadd.s32 $0xFFFFE003, lr  }
0x1b: {  	s9 =	sadd.s32 $0xFFFFFEF7, lr;
	s5 =	simm.s32 $0xFFFFFFFF;
	p2 =	slt.u32 s8, $0xFFFFF086  }
0x1c: {  	p1 =	slt.u32 s9, $0xF7A;
	s5 =	simm.s32 @!p2 $0x0  }
0x1d: {  	s5 =	simm.s32 @p1 $0x1;
	p0 =	seq.s32 s7, s2  }
0x1e: {  	s7 =	smul.u32 @!p0 $0xF7A, s2;
	p2 =	seq.s32 @!p0 s5, $0x0  }
0x1f: {  	s9 =	smul.u32 $0xF7A, s1;
	s8 =	simm.s32 @!p0 $0x1BF5;
	p2 =	por !p2, p0  }
0x20: {  	[sflag:s8] =	ssyncset.s32 @!p0 $0xFFFFF086;
	s6 =	sadd.s32 @!p0 s3, s7;
	s7 =	simm.s32 @!p0 $0x108  }
0x21: {  	s3 =	sadd.s32 s3, s9;
	s6 =	sadd.s32 @!p0 $0x88, s6;
	s7 =	simm.s32 @p2 $0x1082  }
0x22: {  	[simem:s7], [sflag:s8] =	dma.local @!p0 [hbm:s6], $0xF7A  }
0x23: {  	s9 =	sor.u32 $0xD0000000, s2;
	s6 =	simm.s32 $0x108;
	_ =	swait.ge @!p0 [sflag:s8], $0x0  }
0x24: {  	s3 =	sadd.s32 $0x88, s3;
	s6 =	simm.s32 @!p1 $0x1082;
	[sflag:s4] =	ssyncset.s32 $0xFFFFF086  }
0x25: {  	[simem:s6], [sflag:s4] =	dma.local [hbm:s3], $0xF7A  }
0x26: {  	[smem:$0x3F9F] =	sst s1;
	(tag) =	ssettag s2;
	_ =	strace s9  }
0x27: {  	s1 =	sld [smem:$0x3FAF]  }
0x28: {  	s2 =	sld [smem:$0x3FB0]  }
0x29: {  	s4 =	sld [smem:$0x3FB2]  }
0x2a: {  	p0 =	seq.s32 s5, $0x0;
	s5 =	sld [smem:$0x3FB3]  }
0x2b: {  	s6 =	sld [smem:$0x3FB4]  }
0x2c: {  	s7 =	sld [smem:$0x3FB5]  }
0x2d: {  	s3 =	simm.s32 $0x108;
	s8 =	sld [smem:$0x3FB6]  }
0x2e: {  	s3 =	simm.s32 @!p0 $0x1082;
	s9 =	sld [smem:$0x3FB7]  }
0x2f: {  	lr =	sadd.s32 s0, s3;
	s0 =	sld [smem:$0x3FAE]  }
0x30: {  	s3 =	sld [smem:$0x3FB1]  }
0x31: {  	[smem:$0x3FBA] =	sst s10  }
0x32: {  	s10 =	sld [smem:$0x3FB8];
	_ =	sdelay $0x3  }
0x33: {  	p0 =	seq.s32 s10, $0x1;
	s10 =	sld [smem:$0x3FBA];
	_ =	sdelay $0x3  }
0x34: {  	[smem:$0x3FBA] =	sst s10  }
0x35: {  	s10 =	sld [smem:$0x3FB9];
	_ =	sdelay $0x3  }
0x36: {  	p1 =	seq.s32 s10, $0x1;
	s10 =	sld [smem:$0x3FBA];
	_ =	sdelay $0x3  }
0x37: {  	[smem:$0x3FBA] =	sst s10  }
0x38: {  	s10 =	sld [smem:$0x3FBB]  }
0x39: {  	_ = 	snop;
	(pc) =	sbr.ind lr, $3  }
0x3a: {  	_ = 	snop  }
0x3b: {  	_ = 	snop  }
0x3c: {  	p2 =	seq.s32 s10, $0x1;
	s10 =	sld [smem:$0x3FBA]  }
0x3d: {  	_ =	shalt  }
0x3e: {  	_ =	shalt  }
0x3f: {  	_ =	shalt  }
0x40: {  	_ =	shalt  }
0x41: {  	_ =	shalt  }
0x42: {  	_ =	shalt  }
0x43: {  	_ =	shalt  }
0x44: {  	_ =	shalt  }
0x45: {  	_ =	shalt  }
0x46: {  	_ =	shalt  }
0x47: {  	_ =	shalt  }
0x48: {  	_ =	shalt  }
0x49: {  	_ =	shalt  }
0x4a: {  	_ =	shalt  }
0x4b: {  	_ =	shalt  }
0x4c: {  	_ =	shalt  }
0x4d: {  	_ =	shalt  }
0x4e: {  	_ =	shalt  }
0x4f: {  	_ =	shalt  }
0x50: {  	_ =	shalt  }
0x51: {  	_ =	shalt  }
0x52: {  	_ =	shalt  }
0x53: {  	_ =	shalt  }
0x54: {  	_ =	shalt  }
0x55: {  	_ =	shalt  }
0x56: {  	_ =	shalt  }
0x57: {  	_ =	shalt  }
0x58: {  	_ =	shalt  }
0x59: {  	_ =	shalt  }
0x5a: {  	_ =	shalt  }
0x5b: {  	_ =	shalt  }
0x5c: {  	_ =	shalt  }
0x5d: {  	_ =	shalt  }
0x5e: {  	_ =	shalt  }
0x5f: {  	_ =	shalt  }
0x60: {  	_ =	shalt  }
0x61: {  	_ =	shalt  }
0x62: {  	_ =	shalt  }
0x63: {  	_ =	shalt  }
0x64: {  	_ =	shalt  }
0x65: {  	_ =	shalt  }
0x66: {  	_ =	shalt  }
0x67: {  	_ =	shalt  }
0x68: {  	_ =	shalt  }
0x69: {  	_ =	shalt  }
0x6a: {  	_ =	shalt  }
0x6b: {  	_ =	shalt  }
0x6c: {  	_ =	shalt  }
0x6d: {  	_ =	shalt  }
0x6e: {  	_ =	shalt  }
0x6f: {  	_ =	shalt  }
0x70: {  	_ =	shalt  }
0x71: {  	_ =	shalt  }
0x72: {  	_ =	shalt  }
0x73: {  	_ =	shalt  }
0x74: {  	_ =	shalt  }
0x75: {  	_ =	shalt  }
0x76: {  	_ =	shalt  }
0x77: {  	_ =	shalt  }
0x78: {  	_ =	shalt  }
0x79: {  	_ =	shalt  }
0x7a: {  	_ =	shalt  }
0x7b: {  	_ =	shalt  }
0x7c: {  	_ =	shalt  }
0x7d: {  	_ =	shalt  }
0x7e: {  	_ =	shalt  }
0x7f: {  	_ =	shalt  }
0x80: {  	_ =	shalt  }
0x81: {  	_ =	shalt  }
0x82: {  	_ =	shalt  }
0x83: {  	_ =	shalt  }
0x84: {  	_ =	shalt  }
0x85: {  	_ =	shalt  }
0x86: {  	_ =	shalt  }
0x87: {  	_ =	shalt  }
.Lfunc_end0:
.L_simem_size_0:
called_computation_lowered:
.L_overlay_start_0:
0x88: {  	s2 =	sld [smem:$0x3FD9]  }
0x89: {  	s3 =	sld [smem:$0x3FFE];
	_ =	sdelay $0x1  }
0x8a: {  	s1 =	srdreg.scid  }
0x8b: {  	s0 =	sand.u32 $0x1, s1  }
0x8c: {  	s15 =	sshll.u32 s0, $0xA;
	s2 =	sadd.s32 s3, s2  }
0x8d: {  	s2 =	sadd.s32 s2, s15  }
0x8e: {  	[smem:$0x3FC6] =	sst s2  }
0x8f: {  	_ = 	snop  }
0x90: {  	s2 =	sld [smem:$0x3FD0];
	_ =	sdelay $0x2  }
0x91: {  	s4 =	simm.s32 $0xA;
	s5 =	simm.s32 $0x10;
	s16 =	sld [smem:$0x3FC8]  }
0x92: {  	[smem:s5], [sflag:s4] =	dma.local [hbm:s2], $0x1  }
0x93: {  	_ =	swait.eq [sflag:s4], $0x1  }
0x94: {  	[sflag:s4] =	ssyncset.done $0x0  }
0x95: {  	s17 =	sld [smem:$0x10];
	[sflag:s4] =	ssyncadd.s32 $0xFFFFFFFF  }
0x96: {  	s18 =	sld [smem:$0x11];
	(tm) =	ssettm $0x1  }
0x97: {  	s19 =	sld [smem:$0x3FFB];
	_ =	sdelay $0x3  }
0x98: {  	_ =	strace s19  }
0x99: {  	s5 =	sld [smem:$0x3FFC];
	_ =	sdelay $0x3  }
0x9a: {  	_ =	strace s5  }
0x9b: {  	s5 =	sld [smem:$0x3FFD];
	_ =	sdelay $0x3  }
0x9c: {  	_ =	strace s5  }
0x9d: {  	_ =	strace $0x8FFFFFFF  }
0x9e: {  	s20 =	sld [smem:$0x3FDB];
	_ =	sdelay $0x1  }
0x9f: {  	s6 =	simm.s32 $_scs_section_size  }
0xa0: {  	s7 =	simm.s32 $_size__tile_overlayer_lowered;
	s8 =	simm.s32 $_tile_overlayer_lowered  }
0xa1: {  	s23 =	simm.s32 $0x1BFF;
	s22 =	sshll.u32 s8, $0x1;
	s5 =	sadd.s32 s6, s20  }
0xa2: {  	s9 =	simm.s32 $0x0;
	s21 =	sshll.u32 s7, $0x1;
	s7 =	sadd.s32 s22, s5  }
0xa3: {  	[timem:s9], [sflag:s23] =	dma.local [hbm:s7], s21  }
0xa4: {  	_ =	swait.ge [sflag:s23], s21  }
0xa5: {  	s6 =	ssub.s32 $0x0, s21;
	[sflag:s23] =	ssyncset.done $0x0  }
0xa6: {  	[sflag:s23] =	ssyncadd.s32 s6;
	_ =	sdelay $0x1  }
0xa7: {  	s24 =	simm.s32 $0x1B8B  }
0xa8: {  	_ =	swait.ge [sflag:s24], $0x1  }
0xa9: {  	[sflag:s24] =	ssyncset.done $0x0  }
0xaa: {  	s25 =	simm.s32 $0x1B8E;
	[sflag:s24] =	ssyncadd.s32 $0xFFFFFFFF  }
0xab: {  	s26 =	simm.s32 $execute0_lowered;
	[smem:$0x3FD2] =	sst s25  }
0xac: {  	s6 =	sshll.u32 s26, $0x1;
	_ =	strace $0x80000046;
	[dreg:$0x1] =	wrdreg $0xFFFFFFFF  }
0xad: {  	s28 =	simm.s32 $_size_execute0_lowered;
	s5 =	sadd.s32 s5, s6;
	[dreg:$0x0] =	wrdreg $0x0  }
0xae: {  	s6 =	sshll.u32 s28, $0x1;
	[dreg:$0x2] =	wrdreg s5  }
0xaf: {  	[dreg:$0x3] =	wrdreg s6  }
0xb0: {  	[dreg:$0x4] =	wrdreg $0xC0  }
0xb1: {  	_ =	task [dreg:s9], $0x5FFFF  }
0xb2: {  	[dreg:$0x1] =	wrdreg $0xFFFFFFFF  }
0xb3: {  	[dreg:$0x0] =	wrdreg $0x60  }
0xb4: {  	[dreg:$0x2] =	wrdreg s16  }
0xb5: {  	[dreg:$0x3] =	wrdreg s18  }
0xb6: {  	[dreg:$0x4] =	wrdreg s17  }
0xb7: {  	[dreg:$0x5] =	wrdreg $0x9  }
0xb8: {  	_ =	task.clear_ibuf [dreg:s9], $0x6FFFF;
	_ =	strace $0x90000046  }
0xb9: {  	s29 =	simm.s32 $0x9;
	_ =	strace $0x80000048  }
0xba: {  	_ =	swait.ge [sflag:s29], $0x1  }
0xbb: {  	[sflag:s29] =	ssyncadd.s32 $0xFFFFFFFF  }
0xbc: {  	_ =	strace $0x90000048  }
0xbd: {  	_ =	sfence  }
0xbe: {  	s30 =	sld [smem:$0x0];
	_ =	sdelay $0x2  }
0xbf: {  	s31 =	sshll.u32 s1, $0xD;
	s1 =	sshrl.u32 s1, $0x2  }
0xc0: {  	s3 =	sand.u32 $0x4000, s31;
	s1 =	sadd.s32 s1, s30  }
0xc1: {  	s0 =	sor.u32 s3, s0;
	s1 =	sshll.u32 s1, $0x11  }
0xc2: {  	s0 =	sor.u32 s1, s0  }
0xc3: {  	s0 =	sadd.s32 $0x8F2B, s0  }
0xc4: {  	[sflag:s0] =	ssyncadd.remote.s32 $0x1  }
0xc5: {  	_ =	sfence.sel $0xFFFF  }
0xc6: {  	[dreg:$0x0] =	wrdreg $0xFFFFFFFF;
	(pc) =	sbr.abs _section_cstart, $3  }
0xc7: {  	[dreg:$0x1] =	wrdreg $0xFFFFFFFF  }
0xc8: {  	_ =	task.clear_ibuf [dreg:s9], $0x2FFFF;
	_ =	strace $0x9FFFFFFF  }
0xc9: {  	(tm) =	ssettm $0x7FFFFFFF  }
tec
execute0_lowered:
.L_overlay_start_1:
0x0: {  	(tag) =	ssettag $0x1  }
0x1: {  	s1 =	rddreg [dreg:$0x0]  }
0x2: {  	s0 =	srdreg.scid;
	s4 =	rddreg [dreg:$0x1]  }
0x3: {  	s8 =	stileid.u32;
	s6 =	rddreg [dreg:$0x2]  }
0x4: {  	s3 =	simm.s32 $0x0;
	s15 =	simm.s32 $0x2;
	s24 =	simm.s32 $0x800  }
0x5: {  	s28 =	simm.s32 $0x2000;
	s29 =	simm.s32 $0x2800;
	s30 =	simm.s32 $0x3000  }
0x6: {  	s31 =	simm.s32 $0x3800;
	s16 =	simm.s32 $0x5000;
	s17 =	simm.s32 $0x5800  }
0x7: {  	s18 =	simm.s32 $0x6000;
	s19 =	simm.s32 $0x6800;
	s20 =	simm.s32 $0x7000  }
0x8: {  	s21 =	simm.s32 $0x7800;
	s0 =	sand.u32 $0x1, s0;
	s2 =	sshll.u32 s8, $0x1  }
0x9: {  	s22 =	simm.s32 $0x8000;
	s2 =	sor.u32 s0, s2;
	s5 =	ssub.s32 $0x2, s0  }
0xa: {  	s23 =	simm.s32 $0x1;
	s2 =	smul.u32 $0x480, s2;
	s7 =	sshrl.u32 s5, $0x1  }
0xb: {  	[smem:$0x7FF] =	sst s3;
	s26 =	smul.u32 $0x12000, s8;
	s5 =	ssub.s32 s5, s7  }
0xc: {  	_ =	strace $0x80000047;
	s2 =	sshrl.u32 s2, $0x3;
	s5 =	smax.u32 s5, $0x1  }
0xd: {  	s0 =	smul.u32 $0x9000, s0;
	[dreg:$0x4] =	wrdreg s5;
	s5 =	sadd.s32 s4, s2  }
0xe: {  	s2 =	sadd.s32 $0x10, s5;
	s25 =	sadd.s32 $0x20, s5;
	s4 =	sadd.s32 $0x30, s5  }
0xf: {  	s9 =	sadd.s32 $0x40, s5;
	s10 =	sadd.s32 $0x50, s5;
	[dreg:$0x5] =	wrdreg s2  }
0x10: {  	s11 =	sadd.s32 $0x60, s5;
	s12 =	sadd.s32 $0x70, s5;
	[dreg:$0x6] =	wrdreg s25  }
0x11: {  	v2 =	vlaneseq.u32;
	s13 =	sadd.s32 $0x80, s5;
	[dreg:$0x7] =	wrdreg s4;
	s2 =	sadd.s32 s26, s6  }
0x12: {  	vm0 =	vmmov $0xffff;
	v1 =	vshrl.u32 v2, $0x3;
	s25 =	simm.s32 $0x1000;
	s26 =	simm.s32 $0x1800;
	s4 =	simm.s32 $0x0  }
0x13: {  	v0 =	vand.u32 $0x7, v2;
	v2 =	vor.u32 $0x8, v2;
	v1 =	vmul.u32 $0x8, v1;
	s14 =	sadd.s32 s0, s2;
	s2 =	simm.s32 $0x4000;
	s0 =	simm.s32 $0x4800  }
.LBB2_1:
0x14: {  	[tilespmem:s3], [sflag:$0x2] =	stream.linear.gather [hbm4b:s5+s3], $0x80, $0x38;
	[tilespmem:$0x8800] =	vst v63  }
0x15: {  	_ =	swait.ge [sflag:s15], $0x80  }
0x16: {  	[sflag:s15] =	ssyncset.done $0x0  }
0x17: {  	s7 =	simm.s32 $0x80;
	s6 =	rddreg [dreg:$0x5];
	[sflag:s15] =	ssyncadd.s32 $0xFFFFFF80  }
0x18: {  	[tilespmem:s7], [sflag:$0x2] =	stream.linear.gather [hbm4b:s6+s3], $0x80, $0x38;
	[tilespmem:$0x8800] =	vst v63  }
0x19: {  	_ =	swait.ge [sflag:s15], $0x80  }
0x1a: {  	[sflag:s15] =	ssyncset.done $0x0  }
0x1b: {  	s8 =	simm.s32 $0x100;
	s7 =	rddreg [dreg:$0x6];
	[sflag:s15] =	ssyncadd.s32 $0xFFFFFF80  }
0x1c: {  	[tilespmem:s8], [sflag:$0x2] =	stream.linear.gather [hbm4b:s7+s3], $0x80, $0x38;
	[tilespmem:$0x8800] =	vst v63  }
0x1d: {  	_ =	swait.ge [sflag:s15], $0x80  }
0x1e: {  	[sflag:s15] =	ssyncset.done $0x0  }
0x1f: {  	s8 =	simm.s32 $0x180;
	s7 =	rddreg [dreg:$0x7];
	[sflag:s15] =	ssyncadd.s32 $0xFFFFFF80  }
0x20: {  	[tilespmem:s8], [sflag:$0x2] =	stream.linear.gather [hbm4b:s7+s3], $0x80, $0x38;
	[tilespmem:$0x8800] =	vst v63  }
0x21: {  	_ =	swait.ge [sflag:s15], $0x80  }
0x22: {  	[sflag:s15] =	ssyncset.done $0x0  }
0x23: {  	s8 =	simm.s32 $0x200;
	[sflag:s15] =	ssyncadd.s32 $0xFFFFFF80  }
0x24: {  	[tilespmem:s8], [sflag:$0x2] =	stream.linear.gather [hbm4b:s9+s3], $0x80, $0x38;
	[tilespmem:$0x8800] =	vst v63  }
0x25: {  	_ =	swait.ge [sflag:s15], $0x80  }
0x26: {  	[sflag:s15] =	ssyncset.done $0x0  }
0x27: {  	s7 =	simm.s32 $0x280;
	[sflag:s15] =	ssyncadd.s32 $0xFFFFFF80  }
0x28: {  	[tilespmem:s7], [sflag:$0x2] =	stream.linear.gather [hbm4b:s10+s3], $0x80, $0x38;
	[tilespmem:$0x8800] =	vst v63  }
0x29: {  	_ =	swait.ge [sflag:s15], $0x80  }
0x2a: {  	[sflag:s15] =	ssyncset.done $0x0  }
0x2b: {  	s8 =	simm.s32 $0x300;
	[sflag:s15] =	ssyncadd.s32 $0xFFFFFF80  }
0x2c: {  	[tilespmem:s8], [sflag:$0x2] =	stream.linear.gather [hbm4b:s11+s3], $0x80, $0x38;
	[tilespmem:$0x8800] =	vst v63  }
0x2d: {  	_ =	swait.ge [sflag:s15], $0x80  }
0x2e: {  	[sflag:s15] =	ssyncset.done $0x0  }
0x2f: {  	s7 =	simm.s32 $0x380;
	[sflag:s15] =	ssyncadd.s32 $0xFFFFFF80  }
0x30: {  	[tilespmem:s7], [sflag:$0x2] =	stream.linear.gather [hbm4b:s12+s3], $0x80, $0x38;
	[tilespmem:$0x8800] =	vst v63  }
0x31: {  	_ =	swait.ge [sflag:s15], $0x80  }
0x32: {  	[sflag:s15] =	ssyncset.done $0x0  }
0x33: {  	s8 =	simm.s32 $0x400;
	[sflag:s15] =	ssyncadd.s32 $0xFFFFFF80  }
0x34: {  	[tilespmem:s8], [sflag:$0x2] =	stream.linear.gather [hbm4b:s13+s3], $0x80, $0x38;
	[tilespmem:$0x8800] =	vst v63  }
0x35: {  	_ =	swait.ge [sflag:s15], $0x80  }
0x36: {  	[sflag:s15] =	ssyncset.done $0x0  }
0x37: {  	s6 =	simm.s32 $0x40;
	s7 =	simm.s32 $0x0;
	[sflag:s15] =	ssyncadd.s32 $0xFFFFFF80  }
.LBB2_2:
0x38: {  	v3 =	vld [tilespmem:s6+$0xFFFFFFC0];
	_ =	sdelay $0x4  }
0x39: {  	v4 =	vshll.u32 v3, $0x1  }
0x3a: {  	v3 =	vand.u32 $0x7, v3;
	v4 =	vand.u32 $0xFFFFFFF0, v4  }
0x3b: {  	v3 =	vor.u32 v3, v4  }
0x3c: {  	v4 =	vperm.xlane v3, v0;
	_ =	sdelay $0x1  }
0x3d: {  	v3 =	vperm.xlane v3, v2;
	v4 =	vadd.s32 v1, v4;
	_ =	sdelay $0x1  }
0x3e: {  	v3 =	vadd.s32 v1, v3;
	_ =	sdelay $0x2  }
0x3f: {  	[tilespmem:s24], [sflag:$0x1] =	stream.indirect_vreg.gather [hbm4b:s1+s3], $0x80, v4, vm0, $0xb8;
	[tilespmem:$0x8800] =	vst v63  }
0x40: {  	_ = 	snop  }
0x41: {  	[tilespmem:s25], [sflag:$0x1] =	stream.indirect_vreg.gather [hbm4b:s1+s3], $0x80, v3, vm0, $0xb8;
	[tilespmem:$0x8800] =	vst v63  }
0x42: {  	v3 =	vld [tilespmem:s6+$0xFFFFFFD0];
	_ =	sdelay $0x4  }
0x43: {  	v57 =	vshll.u32 v3, $0x1  }
0x44: {  	v3 =	vand.u32 $0x7, v3;
	v4 =	vand.u32 $0xFFFFFFF0, v57  }
0x45: {  	v3 =	vor.u32 v3, v4  }
0x46: {  	v4 =	vperm.xlane v3, v0;
	_ =	sdelay $0x1  }
0x47: {  	v3 =	vperm.xlane v3, v2;
	v4 =	vadd.s32 v1, v4;
	_ =	sdelay $0x1  }
0x48: {  	v3 =	vadd.s32 v1, v3;
	_ =	sdelay $0x2  }
0x49: {  	[tilespmem:s26], [sflag:$0x1] =	stream.indirect_vreg.gather [hbm4b:s1+s3], $0x80, v4, vm0, $0xb8;
	[tilespmem:$0x8800] =	vst v63  }
0x4a: {  	_ = 	snop  }
0x4b: {  	[tilespmem:s28], [sflag:$0x1] =	stream.indirect_vreg.gather [hbm4b:s1+s3], $0x80, v3, vm0, $0xb8;
	[tilespmem:$0x8800] =	vst v63  }
0x4c: {  	v3 =	vld [tilespmem:s6+$0xFFFFFFE0];
	_ =	sdelay $0x4  }
0x4d: {  	v58 =	vshll.u32 v3, $0x1  }
0x4e: {  	v3 =	vand.u32 $0x7, v3;
	v4 =	vand.u32 $0xFFFFFFF0, v58  }
0x4f: {  	v3 =	vor.u32 v3, v4  }
0x50: {  	v4 =	vperm.xlane v3, v0;
	_ =	sdelay $0x1  }
0x51: {  	v3 =	vperm.xlane v3, v2;
	v4 =	vadd.s32 v1, v4;
	_ =	sdelay $0x1  }
0x52: {  	v3 =	vadd.s32 v1, v3;
	_ =	sdelay $0x2  }
0x53: {  	[tilespmem:s29], [sflag:$0x1] =	stream.indirect_vreg.gather [hbm4b:s1+s3], $0x80, v4, vm0, $0xb8;
	[tilespmem:$0x8800] =	vst v63  }
0x54: {  	_ = 	snop  }
0x55: {  	[tilespmem:s30], [sflag:$0x1] =	stream.indirect_vreg.gather [hbm4b:s1+s3], $0x80, v3, vm0, $0xb8;
	[tilespmem:$0x8800] =	vst v63  }
0x56: {  	v3 =	vld [tilespmem:s6+$0xFFFFFFF0];
	_ =	sdelay $0x4  }
0x57: {  	v59 =	vshll.u32 v3, $0x1  }
0x58: {  	v3 =	vand.u32 $0x7, v3;
	v4 =	vand.u32 $0xFFFFFFF0, v59  }
0x59: {  	v3 =	vor.u32 v3, v4  }
0x5a: {  	v4 =	vperm.xlane v3, v0;
	_ =	sdelay $0x1  }
0x5b: {  	v3 =	vperm.xlane v3, v2;
	v4 =	vadd.s32 v1, v4;
	_ =	sdelay $0x1  }
0x5c: {  	v3 =	vadd.s32 v1, v3;
	_ =	sdelay $0x2  }
0x5d: {  	[tilespmem:s31], [sflag:$0x1] =	stream.indirect_vreg.gather [hbm4b:s1+s3], $0x80, v4, vm0, $0xb8;
	[tilespmem:$0x8800] =	vst v63  }
0x5e: {  	_ = 	snop  }
0x5f: {  	[tilespmem:s2], [sflag:$0x1] =	stream.indirect_vreg.gather [hbm4b:s1+s3], $0x80, v3, vm0, $0xb8;
	[tilespmem:$0x8800] =	vst v63  }
0x60: {  	v3 =	vld [tilespmem:s6+$0x0];
	_ =	sdelay $0x4  }
0x61: {  	v60 =	vshll.u32 v3, $0x1  }
0x62: {  	v3 =	vand.u32 $0x7, v3;
	v4 =	vand.u32 $0xFFFFFFF0, v60  }
0x63: {  	v3 =	vor.u32 v3, v4  }
0x64: {  	v4 =	vperm.xlane v3, v0;
	_ =	sdelay $0x1  }
0x65: {  	v3 =	vperm.xlane v3, v2;
	v4 =	vadd.s32 v1, v4;
	_ =	sdelay $0x1  }
0x66: {  	v3 =	vadd.s32 v1, v3;
	_ =	sdelay $0x2  }
0x67: {  	[tilespmem:s0], [sflag:$0x1] =	stream.indirect_vreg.gather [hbm4b:s1+s3], $0x80, v4, vm0, $0xb8;
	[tilespmem:$0x8800] =	vst v63  }
0x68: {  	_ = 	snop  }
0x69: {  	[tilespmem:s16], [sflag:$0x1] =	stream.indirect_vreg.gather [hbm4b:s1+s3], $0x80, v3, vm0, $0xb8;
	[tilespmem:$0x8800] =	vst v63  }
0x6a: {  	v3 =	vld [tilespmem:s6+$0x10];
	_ =	sdelay $0x4  }
0x6b: {  	v61 =	vshll.u32 v3, $0x1  }
0x6c: {  	v3 =	vand.u32 $0x7, v3;
	v4 =	vand.u32 $0xFFFFFFF0, v61  }
0x6d: {  	v3 =	vor.u32 v3, v4  }
0x6e: {  	v4 =	vperm.xlane v3, v0;
	_ =	sdelay $0x1  }
0x6f: {  	v3 =	vperm.xlane v3, v2;
	v4 =	vadd.s32 v1, v4;
	_ =	sdelay $0x1  }
0x70: {  	v3 =	vadd.s32 v1, v3;
	_ =	sdelay $0x2  }
0x71: {  	[tilespmem:s17], [sflag:$0x1] =	stream.indirect_vreg.gather [hbm4b:s1+s3], $0x80, v4, vm0, $0xb8;
	[tilespmem:$0x8800] =	vst v63  }
0x72: {  	_ = 	snop  }
0x73: {  	[tilespmem:s18], [sflag:$0x1] =	stream.indirect_vreg.gather [hbm4b:s1+s3], $0x80, v3, vm0, $0xb8;
	[tilespmem:$0x8800] =	vst v63  }
0x74: {  	v3 =	vld [tilespmem:s6+$0x20];
	_ =	sdelay $0x4  }
0x75: {  	v62 =	vshll.u32 v3, $0x1  }
0x76: {  	v3 =	vand.u32 $0x7, v3;
	v4 =	vand.u32 $0xFFFFFFF0, v62  }
0x77: {  	v3 =	vor.u32 v3, v4  }
0x78: {  	v4 =	vperm.xlane v3, v0;
	_ =	sdelay $0x1  }
0x79: {  	v3 =	vperm.xlane v3, v2;
	v4 =	vadd.s32 v1, v4;
	_ =	sdelay $0x1  }
0x7a: {  	v3 =	vadd.s32 v1, v3;
	_ =	sdelay $0x2  }
0x7b: {  	[tilespmem:s19], [sflag:$0x1] =	stream.indirect_vreg.gather [hbm4b:s1+s3], $0x80, v4, vm0, $0xb8;
	[tilespmem:$0x8800] =	vst v63  }
0x7c: {  	_ = 	snop  }
0x7d: {  	[tilespmem:s20], [sflag:$0x1] =	stream.indirect_vreg.gather [hbm4b:s1+s3], $0x80, v3, vm0, $0xb8;
	[tilespmem:$0x8800] =	vst v63  }
0x7e: {  	v3 =	vld [tilespmem:s6+$0x30];
	_ =	sdelay $0x4  }
0x7f: {  	v63 =	vshll.u32 v3, $0x1  }
0x80: {  	v3 =	vand.u32 $0x7, v3;
	v4 =	vand.u32 $0xFFFFFFF0, v63  }
0x81: {  	v3 =	vor.u32 v3, v4  }
0x82: {  	v4 =	vperm.xlane v3, v0;
	_ =	sdelay $0x1  }
0x83: {  	v3 =	vperm.xlane v3, v2;
	v4 =	vadd.s32 v1, v4;
	_ =	sdelay $0x1  }
0x84: {  	v3 =	vadd.s32 v1, v3;
	_ =	sdelay $0x2  }
0x85: {  	[tilespmem:s21], [sflag:$0x1] =	stream.indirect_vreg.gather [hbm4b:s1+s3], $0x80, v4, vm0, $0xb8;
	[tilespmem:$0x8800] =	vst v63  }
0x86: {  	_ = 	snop  }
0x87: {  	[tilespmem:s22], [sflag:$0x1] =	stream.indirect_vreg.gather [hbm4b:s1+s3], $0x80, v3, vm0, $0xb8;
	[tilespmem:$0x8800] =	vst v63  }
0x88: {  	_ =	swait.ge [sflag:s23], $0x8000  }
0x89: {  	p0 =	sne.s32 s7, $0x8000;
	[sflag:s23] =	ssyncset.done $0x0  }
.Ltmp0:
0x8a: {  	s8 =	sadd.s32 s7, s14;
	[sflag:s23] =	ssyncadd.s32 $0xFFFF8000;
	(pc) =	sbr.rel @p0 .LBB2_2-.Ltmp0, $4  }
0x8b: {  	[hbm4b:s8+s3] =	stream.linear.scatter [tilespmem:s24], [sflag:$0x2], $0x8000, $0x38;
	[tilespmem:$0x8800] =	vst v63  }
0x8c: {  	_ =	swait.ge [sflag:s15], $0x8000  }
0x8d: {  	[sflag:s15] =	ssyncset.done $0x0  }
0x8e: {  	s7 =	sadd.s32 $0x1000, s7;
	s6 =	sadd.s32 $0x80, s6;
	[sflag:s15] =	ssyncadd.s32 $0xFFFF8000  }
0x8f: {  	s4 =	sadd.s32 $0x1, s4;
	s6 =	rddreg [dreg:$0x4]  }
0x90: {  	p0 =	sne.s32 s4, s6  }
.Ltmp1:
0x91: {  	_ = 	snop;
	(pc) =	sbr.rel @p0 .LBB2_1-.Ltmp1, $1  }
0x92: {  	_ =	sdelay $0x3  }
0x93: {  	_ =	sfence.sel $0x180000  }
0x94: {  	[bflag:$0x0] =	sbarrier.arrive $0xFFFF  }
0x95: {  	_ =	strace $0x90000047  }
0x96: {  	s0 =	stileid.u32;
	[bflag:$0x2] =	sbarrier.arrive $0xFFFF  }
0x97: {  	p0 =	sne.s32 s0, $0x0;
	s0 =	rddreg [dreg:$0x3]  }
0x98: {  	s0 =	sadd.s32 @!p0 $0x100000, s0  }
0x99: {  	[sflag:s0] =	ssyncadd.tile.s32 @!p0 $0x1;
	_ =	shalt  }
.Lfunc_end2:
_tile_overlayer_lowered:
.L_overlay_start_2:
0x9a: {  	(tag) =	ssettag $0x2  }
0x9b: {  	s0 =	rddreg [dreg:$0x0];
	s2 =	stileid.u32  }
0x9c: {  	s1 =	rddreg [dreg:$0x1];
	p0 =	sne.s32 s2, $0x0  }
0x9d: {  	s3 =	rddreg [dreg:$0x2];
	[bflag:$0x3] =	sbarrier.arrive $0xFFFF;
	s2 =	simm.s32 @!p0 $0x1C02  }
0x9e: {  	[timem:s3], [sflag:s2] =	dma.local @!p0 [hbm:s0], s1  }
0x9f: {  	s0 =	simm.s32 @!p0 $0x2  }
0xa0: {  	_ =	swait.ge @!p0 [sflag:s0], s1  }
0xa1: {  	s1 =	ssub.s32 @!p0 $0x0, s1;
	[sflag:s0] =	ssyncset.done @!p0 $0x0  }
0xa2: {  	[sflag:s0] =	ssyncadd.s32 @!p0 s1  }
0xa3: {  	[bflag:$0x3] =	sbarrier.arrive $0xFFFF  }
0xa4: {  	_ =	shalt  }

</sc_bundles>
